<compile_context>
chip_gen: v7x
topology: tpu7x:2x2x1
jax: 0.10.2.dev20260603
libtpu: 0.0.44.dev20260713+nightly
codegen_flags: <defaults>
</compile_context>

<pallas_src>
import functools

import jax
import jax.numpy as jnp
from jax import lax
from jax.experimental import pallas as pl
from jax.experimental.pallas import tpu as pltpu
from jax.experimental.pallas import tpu_sc as plsc

N_NODES = 16384
OBS_DIM = 4096
NUM_EXPERTS = 10
TOP_K = 3

NUM_WORKERS = 32
N_TC = 12288
N_SC = N_NODES - N_TC
ROWS_PER_TEC = N_SC // NUM_WORKERS
CHUNK = 8
N_CHUNKS = ROWS_PER_TEC // CHUNK
N_STRIPS = OBS_DIM // 16

ROW_BLOCK = 1024


def _sc_reduce_body(x_hbm, out_hbm, buf0, buf1, acc, sem0, sem1):
    c = lax.axis_index("c")
    s = lax.axis_index("s")
    wid = s * 2 + c
    base = N_TC + wid * ROWS_PER_TEC

    zeros16 = jnp.zeros((16,), jnp.float32)

    def _zero(i, carry):
        acc[pl.ds(i * 16, 16)] = zeros16
        return carry

    lax.fori_loop(0, N_STRIPS, _zero, 0)

    def _start(g, buf, sem):
        pltpu.make_async_copy(
            x_hbm.at[pl.ds(base + g * CHUNK, CHUNK)], buf, sem).start()

    def _accumulate(buf):
        def _strip(i, carry):
            off = pl.ds(i * 16, 16)
            a = acc[off]
            for r in range(CHUNK):
                a = a + buf[r, off]
            acc[off] = a
            return carry
        lax.fori_loop(0, N_STRIPS, _strip, 0)

    _start(0, buf0, sem0)
    _start(1, buf1, sem1)

    def _pair(gp, carry):
        g0 = gp * 2

        pltpu.make_async_copy(
            x_hbm.at[pl.ds(base + g0 * CHUNK, CHUNK)], buf0, sem0).wait()
        _accumulate(buf0)

        @pl.when(g0 + 2 < N_CHUNKS)
        def _():
            _start(g0 + 2, buf0, sem0)

        pltpu.make_async_copy(
            x_hbm.at[pl.ds(base + (g0 + 1) * CHUNK, CHUNK)], buf1, sem1).wait()
        _accumulate(buf1)

        @pl.when(g0 + 3 < N_CHUNKS)
        def _():
            _start(g0 + 3, buf1, sem1)

        return carry

    lax.fori_loop(0, N_CHUNKS // 2, _pair, 0)

    pltpu.sync_copy(acc, out_hbm.at[wid])


@functools.partial(
    pl.kernel,
    mesh=plsc.VectorSubcoreMesh(core_axis_name="c", subcore_axis_name="s"),
    out_type=jax.ShapeDtypeStruct((NUM_WORKERS, OBS_DIM), jnp.float32),
    scratch_types=[
        pltpu.VMEM((CHUNK, OBS_DIM), jnp.float32),
        pltpu.VMEM((CHUNK, OBS_DIM), jnp.float32),
        pltpu.VMEM((OBS_DIM,), jnp.float32),
        pltpu.SemaphoreType.DMA,
        pltpu.SemaphoreType.DMA,
    ],
)
def _sc_reduce(x_hbm, out_hbm, buf0, buf1, acc, sem0, sem1):
    _sc_reduce_body(x_hbm, out_hbm, buf0, buf1, acc, sem0, sem1)


def _tc_reduce_kernel(x_ref, out_ref):
    step = pl.program_id(0)

    @pl.when(step == 0)
    def _init():
        out_ref[...] = jnp.zeros_like(out_ref)

    out_ref[...] += jnp.sum(x_ref[...], axis=0, keepdims=True)


def _tc_reduce(ip_x):
    return pl.pallas_call(
        _tc_reduce_kernel,
        grid=(N_TC // ROW_BLOCK,),
        in_specs=[pl.BlockSpec((ROW_BLOCK, OBS_DIM), lambda i: (i, 0))],
        out_specs=pl.BlockSpec((1, OBS_DIM), lambda i: (0, 0)),
        out_shape=jax.ShapeDtypeStruct((1, OBS_DIM), jnp.float32),
        compiler_params=pltpu.CompilerParams(
            dimension_semantics=("arbitrary",),
        ),
    )(ip_x)


def _head_kernel(sc_ref, tc_ref, w_ref, b_ref, eps_ref,
                 w_out, l_out, v_out, i_out):
    total = (jnp.sum(sc_ref[...], axis=0, keepdims=True)
             + tc_ref[...])
    gs = total * (1.0 / N_NODES)
    both = jnp.dot(gs, w_ref[...],
                   preferred_element_type=jnp.float32) + b_ref[...]
    clean = both[:, :NUM_EXPERTS]
    raw = both[:, NUM_EXPERTS:]
    noise_std = jnp.logaddexp(raw, 0.0)
    logits = clean + eps_ref[...] * noise_std
    m = jnp.max(logits, axis=-1, keepdims=True)
    e = jnp.exp(logits - m)
    weights = e / jnp.sum(e, axis=-1, keepdims=True)
    l_out[...] = logits
    w_out[...] = weights

    idxs = lax.broadcasted_iota(jnp.int32, (1, NUM_EXPERTS), 1)
    cur = weights
    vals, inds = [], []
    for _ in range(TOP_K):
        v = jnp.max(cur, axis=-1, keepdims=True)
        a = jnp.min(jnp.where(cur == v, idxs, NUM_EXPERTS),
                    axis=-1, keepdims=True)
        cur = jnp.where(idxs == a, -jnp.inf, cur)
        vals.append(v)
        inds.append(a)
    v_out[...] = jnp.concatenate(vals, axis=-1)
    i_out[...] = jnp.concatenate(inds, axis=-1)


def _head(sc_part, tc_part, w_both, b_both, eps):
    return pl.pallas_call(
        _head_kernel,
        out_shape=[
            jax.ShapeDtypeStruct((1, NUM_EXPERTS), jnp.float32),
            jax.ShapeDtypeStruct((1, NUM_EXPERTS), jnp.float32),
            jax.ShapeDtypeStruct((1, TOP_K), jnp.float32),
            jax.ShapeDtypeStruct((1, TOP_K), jnp.int32),
        ],
    )(sc_part, tc_part, w_both, b_both, eps)


@jax.jit
def _run(ip_x, w_both, b_both, eps):
    sc_part = _sc_reduce(ip_x)
    tc_part = _tc_reduce(ip_x)
    weights, logits, top_k_vals, top_k_indices = _head(
        sc_part, tc_part, w_both, b_both, eps)
    return weights, logits, top_k_vals, top_k_indices


def kernel(ip_x, w_gating, b_gating, w_noise, b_noise, top_k):
    eps = jax.random.normal(jax.random.key(42), (1, NUM_EXPERTS),
                            dtype=jnp.float32)
    w_both = jnp.concatenate([w_gating, w_noise], axis=1)
    b_both = jnp.concatenate([b_gating, b_noise]).reshape(1, 2 * NUM_EXPERTS)
    del top_k
    return _run(ip_x, w_both, b_both, eps)

# --- scband reference (transcript-rebuilt; emitter-appended) ---
"""Pipeline reference for scband-hive-mind-25271587569893 (READ-ONLY COPY).

The authoritative reference and input builder live on the scoring server;
editing this copy changes nothing except your own understanding.
"""

import jax, jax.numpy as jnp
import numpy as np

OBS_DIM = 4096
NUM_EXPERTS = 10
N_NODES = 16384

def setup_inputs(seed: int = 0) -> dict:
    key = jax.random.key(seed)
    k1, k2, k3, k4, k5 = jax.random.split(key, 5)
    ip_x = jax.random.normal(k1, (N_NODES, OBS_DIM), dtype=jnp.float32)
    # gating network params (nn.Linear(input_dim, num_experts)) stored as [in, out]
    w_gating = jax.random.normal(k2, (OBS_DIM, NUM_EXPERTS), dtype=jnp.float32) * 0.02
    b_gating = jnp.zeros((NUM_EXPERTS,), dtype=jnp.float32)
    w_noise = jax.random.normal(k3, (OBS_DIM, NUM_EXPERTS), dtype=jnp.float32) * 0.02
    b_noise = jnp.zeros((NUM_EXPERTS,), dtype=jnp.float32)
    return {"ip_x": ip_x, "w_gating": w_gating, "b_gating": b_gating,
            "w_noise": w_noise, "b_noise": b_noise, "top_k": 3}

def _softplus(x):
    return jnp.logaddexp(x, 0.0)

def reference(ip_x, w_gating, b_gating, w_noise, b_noise, top_k=3):
    # HiveMind.forward: global_state = mean over 'ip' node features
    global_state = jnp.mean(ip_x, axis=0, keepdims=True)  # [1, OBS_DIM]
    # NoisyGatingNetwork.forward (training=True path, deterministic noise key)
    clean_logits = global_state @ w_gating + b_gating        # [1, E]
    raw_noise_std = global_state @ w_noise + b_noise         # [1, E]
    noise_std = _softplus(raw_noise_std)
    eps = jax.random.normal(jax.random.key(42), clean_logits.shape, dtype=jnp.float32)
    logits = clean_logits + eps * noise_std
    weights = jax.nn.softmax(logits, axis=-1)
    # torch.topk(weights, k=top_k, dim=-1)
    top_k_arr = jnp.asarray(top_k)
    weights = weights + (top_k_arr - top_k_arr).astype(weights.dtype)
    top_k_vals, top_k_indices = jax.lax.top_k(weights, 3)
    return (weights, logits, top_k_vals, top_k_indices)

if __name__ == "__main__":
    import jax
    _d = setup_inputs()
    print(jax.jit(kernel)(*tuple(_d.values())))

</pallas_src>

<mosaic_0001>
#map = affine_map<(d0, d1) -> (0, 0)>
module attributes {stable_mosaic.version = 14 : i64} {
  func.func @_sc_reduce(%arg0: i32, %arg1: i32, %arg2: memref<16384x4096xf32, #tpu.memory_space<hbm>>, %arg3: memref<32x4096xf32, #tpu.memory_space<hbm>>, %arg4: memref<8x4096xf32, #tpu.memory_space<vmem>>, %arg5: memref<8x4096xf32, #tpu.memory_space<vmem>>, %arg6: memref<4096xf32, #tpu.memory_space<vmem>>, %arg7: memref<!tpu.dma_semaphore, #tpu.memory_space<semaphore_mem>>, %arg8: memref<!tpu.dma_semaphore, #tpu.memory_space<semaphore_mem>>) attributes {dimension_semantics = [#tpu.dimension_semantics<core_parallel>, #tpu.dimension_semantics<subcore_parallel>], iteration_bounds = array<i64: 2, 16>, scalar_prefetch = 0 : i64, scratch_operands = 5 : i64, tpu.core_type = #tpu.core_type<sc_vector_subcore>, window_params = [{transform_indices = #map}, {transform_indices = #map}]} {
    %mul3A = arith.constant 2 : i32
    %mul3A_0 = arith.muli %arg1, %mul3A : i32
    %add3A = arith.addi %mul3A_0, %arg0 : i32
    %mul3A_1 = arith.constant 128 : i32
    %mul3A_2 = arith.muli %add3A, %mul3A_1 : i32
    %add3A_3 = arith.constant 12288 : i32
    %add3A_4 = arith.addi %add3A_3, %mul3A_2 : i32
    %broadcast_in_dim3A = arith.constant 0.000000e+00 : f32
    %broadcast_in_dim3A_5 = vector.broadcast %broadcast_in_dim3A : f32 to vector<16xf32>
    %scan3A = arith.constant 0 : i32
    %scan3A_6 = arith.constant 0 : i32
    %scan3A_7 = arith.constant 256 : i32
    %scan3A_8 = arith.addi %scan3A_6, %scan3A_7 : i32
    %scan3A_9 = arith.constant 1 : i32
    scf.for %scan3A_28 = %scan3A_6 to %scan3A_8 step %scan3A_9  : i32 {
      %mul3A_29 = arith.constant 16 : i32
      %mul3A_30 = arith.muli %scan3A_28, %mul3A_29 : i32
      %swap3A = arith.index_cast %mul3A_30 : i32 to index
      %swap3A_31 = tpu.vector_load %arg6[%swap3A] {strides = array<i32>} : memref<4096xf32, #tpu.memory_space<vmem>>, vector<16xf32>,
      %swap3A_32 = vector.shape_cast %swap3A_31 : vector<16xf32> to vector<16xf32>
      %swap3A_33 = vector.shape_cast %broadcast_in_dim3A_5 : vector<16xf32> to vector<16xf32>
      tpu.vector_store %arg6[%swap3A], %swap3A_33 {strides = array<i32>} : memref<4096xf32, #tpu.memory_space<vmem>>, vector<16xf32>,
    }
    %scan3A_10 = arith.constant 256 : i32
    %add3A_11 = arith.constant 0 : i32
    %add3A_12 = arith.addi %add3A_4, %add3A_11 : i32
    %dma_start3A = arith.constant 0 : i32
    %dma_start3A_13 = tpu.memref_slice %arg2[%add3A_12, %dma_start3A] : memref<16384x4096xf32, #tpu.memory_space<hbm>> -> memref<8x4096xf32, #tpu.memory_space<hbm>>
    %dma_start3A_14 = arith.constant 0 : i32
    %dma_start3A_15 = tpu.memref_slice %arg2[%add3A_12, %dma_start3A_14] : memref<16384x4096xf32, #tpu.memory_space<hbm>> -> memref<8x4096xf32, #tpu.memory_space<hbm>>
    tpu.enqueue_dma source(%dma_start3A_15 : memref<8x4096xf32, #tpu.memory_space<hbm>>) target(%arg4 : memref<8x4096xf32, #tpu.memory_space<vmem>>) target_semaphore(%arg7 : memref<!tpu.dma_semaphore, #tpu.memory_space<semaphore_mem>>)
    %add3A_16 = arith.constant 8 : i32
    %add3A_17 = arith.addi %add3A_4, %add3A_16 : i32
    %dma_start3A_18 = arith.constant 0 : i32
    %dma_start3A_19 = tpu.memref_slice %arg2[%add3A_17, %dma_start3A_18] : memref<16384x4096xf32, #tpu.memory_space<hbm>> -> memref<8x4096xf32, #tpu.memory_space<hbm>>
    %dma_start3A_20 = arith.constant 0 : i32
    %dma_start3A_21 = tpu.memref_slice %arg2[%add3A_17, %dma_start3A_20] : memref<16384x4096xf32, #tpu.memory_space<hbm>> -> memref<8x4096xf32, #tpu.memory_space<hbm>>
    tpu.enqueue_dma source(%dma_start3A_21 : memref<8x4096xf32, #tpu.memory_space<hbm>>) target(%arg5 : memref<8x4096xf32, #tpu.memory_space<vmem>>) target_semaphore(%arg8 : memref<!tpu.dma_semaphore, #tpu.memory_space<semaphore_mem>>)
    %scan3A_22 = arith.constant 0 : i32
    %scan3A_23 = arith.constant 0 : i32
    %scan3A_24 = arith.constant 8 : i32
    %scan3A_25 = arith.addi %scan3A_23, %scan3A_24 : i32
    %scan3A_26 = arith.constant 1 : i32
    scf.for %scan3A_28 = %scan3A_23 to %scan3A_25 step %scan3A_26  : i32 {
      %mul3A_29 = arith.constant 2 : i32
      %mul3A_30 = arith.muli %scan3A_28, %mul3A_29 : i32
      %mul3A_31 = arith.constant 8 : i32
      %mul3A_32 = arith.muli %mul3A_30, %mul3A_31 : i32
      %add3A_33 = arith.addi %add3A_4, %mul3A_32 : i32
      %dma_wait3A = arith.constant 0 : i32
      %dma_wait3A_34 = tpu.memref_slice %arg2[%add3A_33, %dma_wait3A] : memref<16384x4096xf32, #tpu.memory_space<hbm>> -> memref<8x4096xf32, #tpu.memory_space<hbm>>
      %dma_wait3A_35 = arith.constant 0 : i32
      %dma_wait3A_36 = tpu.memref_slice %arg2[%add3A_33, %dma_wait3A_35] : memref<16384x4096xf32, #tpu.memory_space<hbm>> -> memref<8x4096xf32, #tpu.memory_space<hbm>>
      tpu.wait_dma2 semaphore(%arg7 : memref<!tpu.dma_semaphore, #tpu.memory_space<semaphore_mem>>) src(%dma_wait3A_36 : memref<8x4096xf32, #tpu.memory_space<hbm>>) dst(%arg4 : memref<8x4096xf32, #tpu.memory_space<vmem>>)
      %scan3A_37 = arith.constant 0 : i32
      %scan3A_38 = arith.constant 0 : i32
      %scan3A_39 = arith.constant 256 : i32
      %scan3A_40 = arith.addi %scan3A_38, %scan3A_39 : i32
      %scan3A_41 = arith.constant 1 : i32
      scf.for %scan3A_69 = %scan3A_38 to %scan3A_40 step %scan3A_41  : i32 {
        %mul3A_70 = arith.constant 16 : i32
        %mul3A_71 = arith.muli %scan3A_69, %mul3A_70 : i32
        %get3A = arith.index_cast %mul3A_71 : i32 to index
        %get3A_72 = tpu.vector_load %arg6[%get3A] {strides = array<i32>} : memref<4096xf32, #tpu.memory_space<vmem>>, vector<16xf32>,
        %get3A_73 = vector.shape_cast %get3A_72 : vector<16xf32> to vector<16xf32>
        %get3A_74 = arith.constant 0 : i32
        %get3A_75 = arith.index_cast %get3A_74 : i32 to index
        %get3A_76 = arith.index_cast %mul3A_71 : i32 to index
        %get3A_77 = tpu.vector_load %arg4[%get3A_75, %get3A_76] {strides = array<i32>} : memref<8x4096xf32, #tpu.memory_space<vmem>>, vector<1x16xf32>,
        %get3A_78 = vector.shape_cast %get3A_77 : vector<1x16xf32> to vector<16xf32>
        %add3A_79 = arith.addf %get3A_73, %get3A_78 : vector<16xf32>
        %get3A_80 = arith.constant 1 : i32
        %get3A_81 = arith.index_cast %get3A_80 : i32 to index
        %get3A_82 = arith.index_cast %mul3A_71 : i32 to index
        %get3A_83 = tpu.vector_load %arg4[%get3A_81, %get3A_82] {strides = array<i32>} : memref<8x4096xf32, #tpu.memory_space<vmem>>, vector<1x16xf32>,
        %get3A_84 = vector.shape_cast %get3A_83 : vector<1x16xf32> to vector<16xf32>
        %add3A_85 = arith.addf %add3A_79, %get3A_84 : vector<16xf32>
        %get3A_86 = arith.constant 2 : i32
        %get3A_87 = arith.index_cast %get3A_86 : i32 to index
        %get3A_88 = arith.index_cast %mul3A_71 : i32 to index
        %get3A_89 = tpu.vector_load %arg4[%get3A_87, %get3A_88] {strides = array<i32>} : memref<8x4096xf32, #tpu.memory_space<vmem>>, vector<1x16xf32>,
        %get3A_90 = vector.shape_cast %get3A_89 : vector<1x16xf32> to vector<16xf32>
        %add3A_91 = arith.addf %add3A_85, %get3A_90 : vector<16xf32>
        %get3A_92 = arith.constant 3 : i32
        %get3A_93 = arith.index_cast %get3A_92 : i32 to index
        %get3A_94 = arith.index_cast %mul3A_71 : i32 to index
        %get3A_95 = tpu.vector_load %arg4[%get3A_93, %get3A_94] {strides = array<i32>} : memref<8x4096xf32, #tpu.memory_space<vmem>>, vector<1x16xf32>,
        %get3A_96 = vector.shape_cast %get3A_95 : vector<1x16xf32> to vector<16xf32>
        %add3A_97 = arith.addf %add3A_91, %get3A_96 : vector<16xf32>
        %get3A_98 = arith.constant 4 : i32
        %get3A_99 = arith.index_cast %get3A_98 : i32 to index
        %get3A_100 = arith.index_cast %mul3A_71 : i32 to index
        %get3A_101 = tpu.vector_load %arg4[%get3A_99, %get3A_100] {strides = array<i32>} : memref<8x4096xf32, #tpu.memory_space<vmem>>, vector<1x16xf32>,
        %get3A_102 = vector.shape_cast %get3A_101 : vector<1x16xf32> to vector<16xf32>
        %add3A_103 = arith.addf %add3A_97, %get3A_102 : vector<16xf32>
        %get3A_104 = arith.constant 5 : i32
        %get3A_105 = arith.index_cast %get3A_104 : i32 to index
        %get3A_106 = arith.index_cast %mul3A_71 : i32 to index
        %get3A_107 = tpu.vector_load %arg4[%get3A_105, %get3A_106] {strides = array<i32>} : memref<8x4096xf32, #tpu.memory_space<vmem>>, vector<1x16xf32>,
        %get3A_108 = vector.shape_cast %get3A_107 : vector<1x16xf32> to vector<16xf32>
        %add3A_109 = arith.addf %add3A_103, %get3A_108 : vector<16xf32>
        %get3A_110 = arith.constant 6 : i32
        %get3A_111 = arith.index_cast %get3A_110 : i32 to index
        %get3A_112 = arith.index_cast %mul3A_71 : i32 to index
        %get3A_113 = tpu.vector_load %arg4[%get3A_111, %get3A_112] {strides = array<i32>} : memref<8x4096xf32, #tpu.memory_space<vmem>>, vector<1x16xf32>,
        %get3A_114 = vector.shape_cast %get3A_113 : vector<1x16xf32> to vector<16xf32>
        %add3A_115 = arith.addf %add3A_109, %get3A_114 : vector<16xf32>
        %get3A_116 = arith.constant 7 : i32
        %get3A_117 = arith.index_cast %get3A_116 : i32 to index
        %get3A_118 = arith.index_cast %mul3A_71 : i32 to index
        %get3A_119 = tpu.vector_load %arg4[%get3A_117, %get3A_118] {strides = array<i32>} : memref<8x4096xf32, #tpu.memory_space<vmem>>, vector<1x16xf32>,
        %get3A_120 = vector.shape_cast %get3A_119 : vector<1x16xf32> to vector<16xf32>
        %add3A_121 = arith.addf %add3A_115, %get3A_120 : vector<16xf32>
        %swap3A = arith.index_cast %mul3A_71 : i32 to index
        %swap3A_122 = tpu.vector_load %arg6[%swap3A] {strides = array<i32>} : memref<4096xf32, #tpu.memory_space<vmem>>, vector<16xf32>,
        %swap3A_123 = vector.shape_cast %swap3A_122 : vector<16xf32> to vector<16xf32>
        %swap3A_124 = vector.shape_cast %add3A_121 : vector<16xf32> to vector<16xf32>
        tpu.vector_store %arg6[%swap3A], %swap3A_124 {strides = array<i32>} : memref<4096xf32, #tpu.memory_space<vmem>>, vector<16xf32>,
      }
      %scan3A_42 = arith.constant 256 : i32
      %add3A_43 = arith.constant 2 : i32
      %add3A_44 = arith.addi %mul3A_30, %add3A_43 : i32
      %lt3A = arith.constant 16 : i32
      %lt3A_45 = arith.cmpi slt, %add3A_44, %lt3A : i32
      %convert_element_type3A = arith.extui %lt3A_45 : i1 to i32
      %cond3A = arith.constant 0 : i32
      %cond3A_46 = arith.cmpi ne, %convert_element_type3A, %cond3A : i32
      scf.if %cond3A_46 {
        %add3A_69 = arith.constant 2 : i32
        %add3A_70 = arith.addi %mul3A_30, %add3A_69 : i32
        %mul3A_71 = arith.constant 8 : i32
        %mul3A_72 = arith.muli %add3A_70, %mul3A_71 : i32
        %add3A_73 = arith.addi %add3A_4, %mul3A_72 : i32
        %dma_start3A_74 = arith.constant 0 : i32
        %dma_start3A_75 = tpu.memref_slice %arg2[%add3A_73, %dma_start3A_74] : memref<16384x4096xf32, #tpu.memory_space<hbm>> -> memref<8x4096xf32, #tpu.memory_space<hbm>>
        %dma_start3A_76 = arith.constant 0 : i32
        %dma_start3A_77 = tpu.memref_slice %arg2[%add3A_73, %dma_start3A_76] : memref<16384x4096xf32, #tpu.memory_space<hbm>> -> memref<8x4096xf32, #tpu.memory_space<hbm>>
        tpu.enqueue_dma source(%dma_start3A_77 : memref<8x4096xf32, #tpu.memory_space<hbm>>) target(%arg4 : memref<8x4096xf32, #tpu.memory_space<vmem>>) target_semaphore(%arg7 : memref<!tpu.dma_semaphore, #tpu.memory_space<semaphore_mem>>)
      } else {
      }
      %add3A_47 = arith.constant 1 : i32
      %add3A_48 = arith.addi %mul3A_30, %add3A_47 : i32
      %mul3A_49 = arith.constant 8 : i32
      %mul3A_50 = arith.muli %add3A_48, %mul3A_49 : i32
      %add3A_51 = arith.addi %add3A_4, %mul3A_50 : i32
      %dma_wait3A_52 = arith.constant 0 : i32
      %dma_wait3A_53 = tpu.memref_slice %arg2[%add3A_51, %dma_wait3A_52] : memref<16384x4096xf32, #tpu.memory_space<hbm>> -> memref<8x4096xf32, #tpu.memory_space<hbm>>
      %dma_wait3A_54 = arith.constant 0 : i32
      %dma_wait3A_55 = tpu.memref_slice %arg2[%add3A_51, %dma_wait3A_54] : memref<16384x4096xf32, #tpu.memory_space<hbm>> -> memref<8x4096xf32, #tpu.memory_space<hbm>>
      tpu.wait_dma2 semaphore(%arg8 : memref<!tpu.dma_semaphore, #tpu.memory_space<semaphore_mem>>) src(%dma_wait3A_55 : memref<8x4096xf32, #tpu.memory_space<hbm>>) dst(%arg5 : memref<8x4096xf32, #tpu.memory_space<vmem>>)
      %scan3A_56 = arith.constant 0 : i32
      %scan3A_57 = arith.constant 0 : i32
      %scan3A_58 = arith.constant 256 : i32
      %scan3A_59 = arith.addi %scan3A_57, %scan3A_58 : i32
      %scan3A_60 = arith.constant 1 : i32
      scf.for %scan3A_69 = %scan3A_57 to %scan3A_59 step %scan3A_60  : i32 {
        %mul3A_70 = arith.constant 16 : i32
        %mul3A_71 = arith.muli %scan3A_69, %mul3A_70 : i32
        %get3A = arith.index_cast %mul3A_71 : i32 to index
        %get3A_72 = tpu.vector_load %arg6[%get3A] {strides = array<i32>} : memref<4096xf32, #tpu.memory_space<vmem>>, vector<16xf32>,
        %get3A_73 = vector.shape_cast %get3A_72 : vector<16xf32> to vector<16xf32>
        %get3A_74 = arith.constant 0 : i32
        %get3A_75 = arith.index_cast %get3A_74 : i32 to index
        %get3A_76 = arith.index_cast %mul3A_71 : i32 to index
        %get3A_77 = tpu.vector_load %arg5[%get3A_75, %get3A_76] {strides = array<i32>} : memref<8x4096xf32, #tpu.memory_space<vmem>>, vector<1x16xf32>,
        %get3A_78 = vector.shape_cast %get3A_77 : vector<1x16xf32> to vector<16xf32>
        %add3A_79 = arith.addf %get3A_73, %get3A_78 : vector<16xf32>
        %get3A_80 = arith.constant 1 : i32
        %get3A_81 = arith.index_cast %get3A_80 : i32 to index
        %get3A_82 = arith.index_cast %mul3A_71 : i32 to index
        %get3A_83 = tpu.vector_load %arg5[%get3A_81, %get3A_82] {strides = array<i32>} : memref<8x4096xf32, #tpu.memory_space<vmem>>, vector<1x16xf32>,
        %get3A_84 = vector.shape_cast %get3A_83 : vector<1x16xf32> to vector<16xf32>
        %add3A_85 = arith.addf %add3A_79, %get3A_84 : vector<16xf32>
        %get3A_86 = arith.constant 2 : i32
        %get3A_87 = arith.index_cast %get3A_86 : i32 to index
        %get3A_88 = arith.index_cast %mul3A_71 : i32 to index
        %get3A_89 = tpu.vector_load %arg5[%get3A_87, %get3A_88] {strides = array<i32>} : memref<8x4096xf32, #tpu.memory_space<vmem>>, vector<1x16xf32>,
        %get3A_90 = vector.shape_cast %get3A_89 : vector<1x16xf32> to vector<16xf32>
        %add3A_91 = arith.addf %add3A_85, %get3A_90 : vector<16xf32>
        %get3A_92 = arith.constant 3 : i32
        %get3A_93 = arith.index_cast %get3A_92 : i32 to index
        %get3A_94 = arith.index_cast %mul3A_71 : i32 to index
        %get3A_95 = tpu.vector_load %arg5[%get3A_93, %get3A_94] {strides = array<i32>} : memref<8x4096xf32, #tpu.memory_space<vmem>>, vector<1x16xf32>,
        %get3A_96 = vector.shape_cast %get3A_95 : vector<1x16xf32> to vector<16xf32>
        %add3A_97 = arith.addf %add3A_91, %get3A_96 : vector<16xf32>
        %get3A_98 = arith.constant 4 : i32
        %get3A_99 = arith.index_cast %get3A_98 : i32 to index
        %get3A_100 = arith.index_cast %mul3A_71 : i32 to index
        %get3A_101 = tpu.vector_load %arg5[%get3A_99, %get3A_100] {strides = array<i32>} : memref<8x4096xf32, #tpu.memory_space<vmem>>, vector<1x16xf32>,
        %get3A_102 = vector.shape_cast %get3A_101 : vector<1x16xf32> to vector<16xf32>
        %add3A_103 = arith.addf %add3A_97, %get3A_102 : vector<16xf32>
        %get3A_104 = arith.constant 5 : i32
        %get3A_105 = arith.index_cast %get3A_104 : i32 to index
        %get3A_106 = arith.index_cast %mul3A_71 : i32 to index
        %get3A_107 = tpu.vector_load %arg5[%get3A_105, %get3A_106] {strides = array<i32>} : memref<8x4096xf32, #tpu.memory_space<vmem>>, vector<1x16xf32>,
        %get3A_108 = vector.shape_cast %get3A_107 : vector<1x16xf32> to vector<16xf32>
        %add3A_109 = arith.addf %add3A_103, %get3A_108 : vector<16xf32>
        %get3A_110 = arith.constant 6 : i32
        %get3A_111 = arith.index_cast %get3A_110 : i32 to index
        %get3A_112 = arith.index_cast %mul3A_71 : i32 to index
        %get3A_113 = tpu.vector_load %arg5[%get3A_111, %get3A_112] {strides = array<i32>} : memref<8x4096xf32, #tpu.memory_space<vmem>>, vector<1x16xf32>,
        %get3A_114 = vector.shape_cast %get3A_113 : vector<1x16xf32> to vector<16xf32>
        %add3A_115 = arith.addf %add3A_109, %get3A_114 : vector<16xf32>
        %get3A_116 = arith.constant 7 : i32
        %get3A_117 = arith.index_cast %get3A_116 : i32 to index
        %get3A_118 = arith.index_cast %mul3A_71 : i32 to index
        %get3A_119 = tpu.vector_load %arg5[%get3A_117, %get3A_118] {strides = array<i32>} : memref<8x4096xf32, #tpu.memory_space<vmem>>, vector<1x16xf32>,
        %get3A_120 = vector.shape_cast %get3A_119 : vector<1x16xf32> to vector<16xf32>
        %add3A_121 = arith.addf %add3A_115, %get3A_120 : vector<16xf32>
        %swap3A = arith.index_cast %mul3A_71 : i32 to index
        %swap3A_122 = tpu.vector_load %arg6[%swap3A] {strides = array<i32>} : memref<4096xf32, #tpu.memory_space<vmem>>, vector<16xf32>,
        %swap3A_123 = vector.shape_cast %swap3A_122 : vector<16xf32> to vector<16xf32>
        %swap3A_124 = vector.shape_cast %add3A_121 : vector<16xf32> to vector<16xf32>
        tpu.vector_store %arg6[%swap3A], %swap3A_124 {strides = array<i32>} : memref<4096xf32, #tpu.memory_space<vmem>>, vector<16xf32>,
      }
      %scan3A_61 = arith.constant 256 : i32
      %add3A_62 = arith.constant 3 : i32
      %add3A_63 = arith.addi %mul3A_30, %add3A_62 : i32
      %lt3A_64 = arith.constant 16 : i32
      %lt3A_65 = arith.cmpi slt, %add3A_63, %lt3A_64 : i32
      %convert_element_type3A_66 = arith.extui %lt3A_65 : i1 to i32
      %cond3A_67 = arith.constant 0 : i32
      %cond3A_68 = arith.cmpi ne, %convert_element_type3A_66, %cond3A_67 : i32
      scf.if %cond3A_68 {
        %add3A_69 = arith.constant 3 : i32
        %add3A_70 = arith.addi %mul3A_30, %add3A_69 : i32
        %mul3A_71 = arith.constant 8 : i32
        %mul3A_72 = arith.muli %add3A_70, %mul3A_71 : i32
        %add3A_73 = arith.addi %add3A_4, %mul3A_72 : i32
        %dma_start3A_74 = arith.constant 0 : i32
        %dma_start3A_75 = tpu.memref_slice %arg2[%add3A_73, %dma_start3A_74] : memref<16384x4096xf32, #tpu.memory_space<hbm>> -> memref<8x4096xf32, #tpu.memory_space<hbm>>
        %dma_start3A_76 = arith.constant 0 : i32
        %dma_start3A_77 = tpu.memref_slice %arg2[%add3A_73, %dma_start3A_76] : memref<16384x4096xf32, #tpu.memory_space<hbm>> -> memref<8x4096xf32, #tpu.memory_space<hbm>>
        tpu.enqueue_dma source(%dma_start3A_77 : memref<8x4096xf32, #tpu.memory_space<hbm>>) target(%arg5 : memref<8x4096xf32, #tpu.memory_space<vmem>>) target_semaphore(%arg8 : memref<!tpu.dma_semaphore, #tpu.memory_space<semaphore_mem>>)
      } else {
      }
    }
    %scan3A_27 = arith.constant 8 : i32
    "tpu.region"() ({
      %run_scoped3A = tpu.sem_alloc : memref<!tpu.dma_semaphore, #tpu.memory_space<semaphore_mem>>
      %dma_start3A_28 = arith.constant 0 : i32
      %dma_start3A_29 = tpu.memref_slice %arg3[%add3A, %dma_start3A_28] : memref<32x4096xf32, #tpu.memory_space<hbm>> -> memref<1x4096xf32, #tpu.memory_space<hbm>>
      %dma_start3A_30 = tpu.memref_squeeze %dma_start3A_29 : memref<1x4096xf32, #tpu.memory_space<hbm>> -> memref<4096xf32, #tpu.memory_space<hbm>>
      %dma_start3A_31 = arith.constant 0 : i32
      %dma_start3A_32 = tpu.memref_slice %arg3[%add3A, %dma_start3A_31] : memref<32x4096xf32, #tpu.memory_space<hbm>> -> memref<1x4096xf32, #tpu.memory_space<hbm>>
      %dma_start3A_33 = tpu.memref_squeeze %dma_start3A_32 : memref<1x4096xf32, #tpu.memory_space<hbm>> -> memref<4096xf32, #tpu.memory_space<hbm>>
      tpu.enqueue_dma source(%arg6 : memref<4096xf32, #tpu.memory_space<vmem>>) target(%dma_start3A_33 : memref<4096xf32, #tpu.memory_space<hbm>>) target_semaphore(%run_scoped3A : memref<!tpu.dma_semaphore, #tpu.memory_space<semaphore_mem>>)
      %dma_wait3A = arith.constant 0 : i32
      %dma_wait3A_34 = tpu.memref_slice %arg3[%add3A, %dma_wait3A] : memref<32x4096xf32, #tpu.memory_space<hbm>> -> memref<1x4096xf32, #tpu.memory_space<hbm>>
      %dma_wait3A_35 = tpu.memref_squeeze %dma_wait3A_34 : memref<1x4096xf32, #tpu.memory_space<hbm>> -> memref<4096xf32, #tpu.memory_space<hbm>>
      %dma_wait3A_36 = arith.constant 0 : i32
      %dma_wait3A_37 = tpu.memref_slice %arg3[%add3A, %dma_wait3A_36] : memref<32x4096xf32, #tpu.memory_space<hbm>> -> memref<1x4096xf32, #tpu.memory_space<hbm>>
      %dma_wait3A_38 = tpu.memref_squeeze %dma_wait3A_37 : memref<1x4096xf32, #tpu.memory_space<hbm>> -> memref<4096xf32, #tpu.memory_space<hbm>>
      tpu.wait_dma2 semaphore(%run_scoped3A : memref<!tpu.dma_semaphore, #tpu.memory_space<semaphore_mem>>) src(%arg6 : memref<4096xf32, #tpu.memory_space<vmem>>) dst(%dma_wait3A_38 : memref<4096xf32, #tpu.memory_space<hbm>>)
      tpu.yield
    }) : () -> ()
    return
  }
}

module attributes {stable_mosaic.version = 14 : i64} {
  func.func @_head_kernel(%arg0: memref<32x4096xf32, #tpu.memory_space<vmem>>, %arg1: memref<1x4096xf32, #tpu.memory_space<vmem>>, %arg2: memref<4096x20xf32, #tpu.memory_space<vmem>>, %arg3: memref<1x20xf32, #tpu.memory_space<vmem>>, %arg4: memref<1x10xf32, #tpu.memory_space<vmem>>, %arg5: memref<1x10xf32, #tpu.memory_space<vmem>>, %arg6: memref<1x10xf32, #tpu.memory_space<vmem>>, %arg7: memref<1x3xf32, #tpu.memory_space<vmem>>, %arg8: memref<1x3xi32, #tpu.memory_space<vmem>>) attributes {dimension_semantics = [], scalar_prefetch = 0 : i64, scratch_operands = 0 : i64, tpu.core_type = #tpu.core_type<tc>} {
    %get3A = arith.constant 0 : index
    %get3A_0 = arith.constant 0 : index
    %get3A_1 = vector.load %arg0[%get3A, %get3A_0] : memref<32x4096xf32, #tpu.memory_space<vmem>>, vector<32x4096xf32>
    %reduce_sum3A = arith.constant dense<0.000000e+00> : vector<4096xf32>
    %reduce_sum3A_2 = vector.multi_reduction <add>, %get3A_1, %reduce_sum3A [0] : vector<32x4096xf32> to vector<4096xf32>
    %broadcast_in_dim3A = vector.shape_cast %reduce_sum3A_2 : vector<4096xf32> to vector<1x4096xf32>
    %get3A_3 = arith.constant 0 : index
    %get3A_4 = arith.constant 0 : index
    %get3A_5 = vector.load %arg1[%get3A_3, %get3A_4] : memref<1x4096xf32, #tpu.memory_space<vmem>>, vector<1x4096xf32>
    %add3A = arith.addf %broadcast_in_dim3A, %get3A_5 : vector<1x4096xf32>
    %mul3A = arith.constant 6.10351563E-5 : f32
    %mul3A_6 = vector.broadcast %mul3A : f32 to vector<1x4096xf32>
    %mul3A_7 = arith.mulf %add3A, %mul3A_6 : vector<1x4096xf32>
    %get3A_8 = arith.constant 0 : index
    %get3A_9 = arith.constant 0 : index
    %get3A_10 = vector.load %arg2[%get3A_8, %get3A_9] : memref<4096x20xf32, #tpu.memory_space<vmem>>, vector<4096x20xf32>
    %dot_general3A = arith.constant dense<0.000000e+00> : vector<1x20xf32>
    %dot_general3A_11 = tpu.matmul %mul3A_7, %get3A_10, %dot_general3A {dimension_numbers = #tpu.dot_dimension_numbers<[1], [0], [0], [1], [0, 0, 1, 1], [], []>, transpose_lhs_hint = false} : vector<1x4096xf32>, vector<4096x20xf32>, vector<1x20xf32> -> vector<1x20xf32>
    %get3A_12 = arith.constant 0 : index
    %get3A_13 = arith.constant 0 : index
    %get3A_14 = vector.load %arg3[%get3A_12, %get3A_13] : memref<1x20xf32, #tpu.memory_space<vmem>>, vector<1x20xf32>
    %add3A_15 = arith.addf %dot_general3A_11, %get3A_14 : vector<1x20xf32>
    %slice3A = vector.extract_strided_slice %add3A_15 {offsets = [0, 0], sizes = [1, 10], strides = [1, 1]} : vector<1x20xf32> to vector<1x10xf32>
    %slice3A_16 = vector.extract_strided_slice %add3A_15 {offsets = [0, 10], sizes = [1, 10], strides = [1, 1]} : vector<1x20xf32> to vector<1x10xf32>
    %custom_jvp_call3A = arith.constant 0.000000e+00 : f32
    %max3A = vector.broadcast %custom_jvp_call3A : f32 to vector<1x10xf32>
    %max3A_17 = arith.maximumf %slice3A_16, %max3A : vector<1x10xf32>
    %sub3A = vector.broadcast %custom_jvp_call3A : f32 to vector<1x10xf32>
    %sub3A_18 = arith.subf %slice3A_16, %sub3A : vector<1x10xf32>
    %ne3A = arith.cmpf one, %sub3A_18, %sub3A_18 : vector<1x10xf32>
    %add3A_19 = vector.broadcast %custom_jvp_call3A : f32 to vector<1x10xf32>
    %add3A_20 = arith.addf %slice3A_16, %add3A_19 : vector<1x10xf32>
    %abs3A = math.absf %sub3A_18 : vector<1x10xf32>
    %neg3A = arith.constant 0.000000e+00 : f32
    %neg3A_21 = vector.broadcast %neg3A : f32 to vector<1x10xf32>
    %neg3A_22 = arith.subf %neg3A_21, %abs3A : vector<1x10xf32>
    %exp3A = math.exp %neg3A_22 : vector<1x10xf32>
    %log1p3A = math.log1p %exp3A : vector<1x10xf32>
    %add3A_23 = arith.addf %max3A_17, %log1p3A : vector<1x10xf32>
    %select_n3A = arith.select %ne3A, %add3A_20, %add3A_23 : vector<1x10xi1>, vector<1x10xf32>
    %get3A_24 = arith.constant 0 : index
    %get3A_25 = arith.constant 0 : index
    %get3A_26 = vector.load %arg4[%get3A_24, %get3A_25] : memref<1x10xf32, #tpu.memory_space<vmem>>, vector<1x10xf32>
    %mul3A_27 = arith.mulf %get3A_26, %select_n3A : vector<1x10xf32>
    %add3A_28 = arith.addf %slice3A, %mul3A_27 : vector<1x10xf32>
    %reduce_max3A = arith.constant dense<0xFF800000> : vector<1xf32>
    %reduce_max3A_29 = vector.multi_reduction <maximumf>, %add3A_28, %reduce_max3A [1] : vector<1x10xf32> to vector<1xf32>
    %broadcast_in_dim3A_30 = vector.shape_cast %reduce_max3A_29 : vector<1xf32> to vector<1x1xf32>
    %sub3A_31 = vector.broadcast %broadcast_in_dim3A_30 : vector<1x1xf32> to vector<1x10xf32>
    %sub3A_32 = arith.subf %add3A_28, %sub3A_31 : vector<1x10xf32>
    %exp3A_33 = math.exp %sub3A_32 : vector<1x10xf32>
    %reduce_sum3A_34 = arith.constant dense<0.000000e+00> : vector<1xf32>
    %reduce_sum3A_35 = vector.multi_reduction <add>, %exp3A_33, %reduce_sum3A_34 [1] : vector<1x10xf32> to vector<1xf32>
    %broadcast_in_dim3A_36 = vector.shape_cast %reduce_sum3A_35 : vector<1xf32> to vector<1x1xf32>
    %div3A = vector.broadcast %broadcast_in_dim3A_36 : vector<1x1xf32> to vector<1x10xf32>
    %div3A_37 = arith.divf %exp3A_33, %div3A : vector<1x10xf32>
    %swap3A = arith.constant 0 : index
    %swap3A_38 = arith.constant 0 : index
    %swap3A_39 = vector.load %arg6[%swap3A, %swap3A_38] : memref<1x10xf32, #tpu.memory_space<vmem>>, vector<1x10xf32>
    tpu.vector_store %arg6[%swap3A, %swap3A_38], %add3A_28 {strides = array<i32>} : memref<1x10xf32, #tpu.memory_space<vmem>>, vector<1x10xf32>,
    %swap3A_40 = arith.constant 0 : index
    %swap3A_41 = arith.constant 0 : index
    %swap3A_42 = vector.load %arg5[%swap3A_40, %swap3A_41] : memref<1x10xf32, #tpu.memory_space<vmem>>, vector<1x10xf32>
    tpu.vector_store %arg5[%swap3A_40, %swap3A_41], %div3A_37 {strides = array<i32>} : memref<1x10xf32, #tpu.memory_space<vmem>>, vector<1x10xf32>,
    %iota3A = tpu.iota {dimensions = array<i32: 1>} : vector<1x10xi32>
    %reduce_max3A_43 = arith.constant dense<0xFF800000> : vector<1xf32>
    %reduce_max3A_44 = vector.multi_reduction <maximumf>, %div3A_37, %reduce_max3A_43 [1] : vector<1x10xf32> to vector<1xf32>
    %broadcast_in_dim3A_45 = vector.shape_cast %reduce_max3A_44 : vector<1xf32> to vector<1x1xf32>
    %eq3A = vector.broadcast %broadcast_in_dim3A_45 : vector<1x1xf32> to vector<1x10xf32>
    %eq3A_46 = arith.cmpf oeq, %div3A_37, %eq3A : vector<1x10xf32>
    %jit3A = arith.constant 10 : i32
    %broadcast_in_dim3A_47 = vector.broadcast %jit3A : i32 to vector<1x10xi32>
    %select_n3A_48 = arith.select %eq3A_46, %iota3A, %broadcast_in_dim3A_47 : vector<1x10xi1>, vector<1x10xi32>
    %reduce_min3A = arith.constant dense<2147483647> : vector<1xi32>
    %reduce_min3A_49 = vector.multi_reduction <minsi>, %select_n3A_48, %reduce_min3A [1] : vector<1x10xi32> to vector<1xi32>
    %broadcast_in_dim3A_50 = vector.shape_cast %reduce_min3A_49 : vector<1xi32> to vector<1x1xi32>
    %eq3A_51 = vector.broadcast %broadcast_in_dim3A_50 : vector<1x1xi32> to vector<1x10xi32>
    %eq3A_52 = arith.cmpi eq, %iota3A, %eq3A_51 : vector<1x10xi32>
    %jit3A_53 = arith.constant 0xFF800000 : f32
    %broadcast_in_dim3A_54 = vector.broadcast %jit3A_53 : f32 to vector<1x10xf32>
    %select_n3A_55 = arith.select %eq3A_52, %broadcast_in_dim3A_54, %div3A_37 : vector<1x10xi1>, vector<1x10xf32>
    %reduce_max3A_56 = arith.constant dense<0xFF800000> : vector<1xf32>
    %reduce_max3A_57 = vector.multi_reduction <maximumf>, %select_n3A_55, %reduce_max3A_56 [1] : vector<1x10xf32> to vector<1xf32>
    %broadcast_in_dim3A_58 = vector.shape_cast %reduce_max3A_57 : vector<1xf32> to vector<1x1xf32>
    %eq3A_59 = vector.broadcast %broadcast_in_dim3A_58 : vector<1x1xf32> to vector<1x10xf32>
    %eq3A_60 = arith.cmpf oeq, %select_n3A_55, %eq3A_59 : vector<1x10xf32>
    %jit3A_61 = arith.constant 10 : i32
    %broadcast_in_dim3A_62 = vector.broadcast %jit3A_61 : i32 to vector<1x10xi32>
    %select_n3A_63 = arith.select %eq3A_60, %iota3A, %broadcast_in_dim3A_62 : vector<1x10xi1>, vector<1x10xi32>
    %reduce_min3A_64 = arith.constant dense<2147483647> : vector<1xi32>
    %reduce_min3A_65 = vector.multi_reduction <minsi>, %select_n3A_63, %reduce_min3A_64 [1] : vector<1x10xi32> to vector<1xi32>
    %broadcast_in_dim3A_66 = vector.shape_cast %reduce_min3A_65 : vector<1xi32> to vector<1x1xi32>
    %eq3A_67 = vector.broadcast %broadcast_in_dim3A_66 : vector<1x1xi32> to vector<1x10xi32>
    %eq3A_68 = arith.cmpi eq, %iota3A, %eq3A_67 : vector<1x10xi32>
    %jit3A_69 = arith.constant 0xFF800000 : f32
    %broadcast_in_dim3A_70 = vector.broadcast %jit3A_69 : f32 to vector<1x10xf32>
    %select_n3A_71 = arith.select %eq3A_68, %broadcast_in_dim3A_70, %select_n3A_55 : vector<1x10xi1>, vector<1x10xf32>
    %reduce_max3A_72 = arith.constant dense<0xFF800000> : vector<1xf32>
    %reduce_max3A_73 = vector.multi_reduction <maximumf>, %select_n3A_71, %reduce_max3A_72 [1] : vector<1x10xf32> to vector<1xf32>
    %broadcast_in_dim3A_74 = vector.shape_cast %reduce_max3A_73 : vector<1xf32> to vector<1x1xf32>
    %eq3A_75 = vector.broadcast %broadcast_in_dim3A_74 : vector<1x1xf32> to vector<1x10xf32>
    %eq3A_76 = arith.cmpf oeq, %select_n3A_71, %eq3A_75 : vector<1x10xf32>
    %jit3A_77 = arith.constant 10 : i32
    %broadcast_in_dim3A_78 = vector.broadcast %jit3A_77 : i32 to vector<1x10xi32>
    %select_n3A_79 = arith.select %eq3A_76, %iota3A, %broadcast_in_dim3A_78 : vector<1x10xi1>, vector<1x10xi32>
    %reduce_min3A_80 = arith.constant dense<2147483647> : vector<1xi32>
    %reduce_min3A_81 = vector.multi_reduction <minsi>, %select_n3A_79, %reduce_min3A_80 [1] : vector<1x10xi32> to vector<1xi32>
    %broadcast_in_dim3A_82 = vector.shape_cast %reduce_min3A_81 : vector<1xi32> to vector<1x1xi32>
    %concatenate3A = tpu.concatenate %broadcast_in_dim3A_45, %broadcast_in_dim3A_58, %broadcast_in_dim3A_74 in 1 : vector<1x1xf32>, vector<1x1xf32>, vector<1x1xf32> -> vector<1x3xf32>
    %swap3A_83 = arith.constant 0 : index
    %swap3A_84 = arith.constant 0 : index
    %swap3A_85 = vector.load %arg7[%swap3A_83, %swap3A_84] : memref<1x3xf32, #tpu.memory_space<vmem>>, vector<1x3xf32>
    tpu.vector_store %arg7[%swap3A_83, %swap3A_84], %concatenate3A {strides = array<i32>} : memref<1x3xf32, #tpu.memory_space<vmem>>, vector<1x3xf32>,
    %concatenate3A_86 = tpu.concatenate %broadcast_in_dim3A_50, %broadcast_in_dim3A_66, %broadcast_in_dim3A_82 in 1 : vector<1x1xi32>, vector<1x1xi32>, vector<1x1xi32> -> vector<1x3xi32>
    %swap3A_87 = arith.constant 0 : index
    %swap3A_88 = arith.constant 0 : index
    %swap3A_89 = vector.load %arg8[%swap3A_87, %swap3A_88] : memref<1x3xi32, #tpu.memory_space<vmem>>, vector<1x3xi32>
    tpu.vector_store %arg8[%swap3A_87, %swap3A_88], %concatenate3A_86 {strides = array<i32>} : memref<1x3xi32, #tpu.memory_space<vmem>>, vector<1x3xi32>,
    return
  }
}

module attributes {stable_mosaic.version = 14 : i64} {
  func.func @_tc_reduce_kernel(%arg0: i32, %arg1: memref<1024x4096xf32, #tpu.memory_space<vmem>>, %arg2: memref<1x4096xf32, #tpu.memory_space<vmem>>) attributes {dimension_semantics = [#tpu.dimension_semantics<arbitrary>], iteration_bounds = array<i64: 12>, scalar_prefetch = 0 : i64, scratch_operands = 0 : i64, tpu.core_type = #tpu.core_type<tc>, window_params = [{transform_indices = @transform_0, window_bounds = array<i64: 1024, 4096>}, {pipeline_mode = #tpu.pipeline_mode<synchronous>, transform_indices = @transform_1, window_bounds = array<i64: 1, 4096>}]} {
    %eq3A = arith.constant 0 : i32
    %eq3A_0 = arith.cmpi eq, %arg0, %eq3A : i32
    %convert_element_type3A = arith.extui %eq3A_0 : i1 to i32
    %cond3A = arith.constant 0 : i32
    %cond3A_1 = arith.cmpi ne, %convert_element_type3A, %cond3A : i32
    scf.if %cond3A_1 {
      %broadcast_in_dim3A_10 = arith.constant 0.000000e+00 : f32
      %broadcast_in_dim3A_11 = vector.broadcast %broadcast_in_dim3A_10 : f32 to vector<1x4096xf32>
      %swap3A_12 = arith.constant 0 : index
      %swap3A_13 = arith.constant 0 : index
      %swap3A_14 = vector.load %arg2[%swap3A_12, %swap3A_13] : memref<1x4096xf32, #tpu.memory_space<vmem>>, vector<1x4096xf32>
      tpu.vector_store %arg2[%swap3A_12, %swap3A_13], %broadcast_in_dim3A_11 {strides = array<i32>} : memref<1x4096xf32, #tpu.memory_space<vmem>>, vector<1x4096xf32>,
    } else {
    }
    %get3A = arith.constant 0 : index
    %get3A_2 = arith.constant 0 : index
    %get3A_3 = vector.load %arg2[%get3A, %get3A_2] : memref<1x4096xf32, #tpu.memory_space<vmem>>, vector<1x4096xf32>
    %get3A_4 = arith.constant 0 : index
    %get3A_5 = arith.constant 0 : index
    %get3A_6 = vector.load %arg1[%get3A_4, %get3A_5] : memref<1024x4096xf32, #tpu.memory_space<vmem>>, vector<1024x4096xf32>
    %reduce_sum3A = arith.constant dense<0.000000e+00> : vector<4096xf32>
    %reduce_sum3A_7 = vector.multi_reduction <add>, %get3A_6, %reduce_sum3A [0] : vector<1024x4096xf32> to vector<4096xf32>
    %broadcast_in_dim3A = vector.shape_cast %reduce_sum3A_7 : vector<4096xf32> to vector<1x4096xf32>
    %add3A = arith.addf %get3A_3, %broadcast_in_dim3A : vector<1x4096xf32>
    %swap3A = arith.constant 0 : index
    %swap3A_8 = arith.constant 0 : index
    %swap3A_9 = vector.load %arg2[%swap3A, %swap3A_8] : memref<1x4096xf32, #tpu.memory_space<vmem>>, vector<1x4096xf32>
    tpu.vector_store %arg2[%swap3A, %swap3A_8], %add3A {strides = array<i32>} : memref<1x4096xf32, #tpu.memory_space<vmem>>, vector<1x4096xf32>,
    return
  }
  func.func @transform_0(%arg0: i32) -> (i32, i32) {
    %c0_i32 = arith.constant 0 : i32
    %c0_i32_0 = arith.constant 0 : i32
    return %arg0, %c0_i32 : i32, i32
  }
  func.func @transform_1(%arg0: i32) -> (i32, i32) {
    %c0_i32 = arith.constant 0 : i32
    %c0_i32_0 = arith.constant 0 : i32
    %c0_i32_1 = arith.constant 0 : i32
    return %c0_i32, %c0_i32_0 : i32, i32
  }
}

</mosaic_0001>

<sc_bundles>
// kernel: _run.5.cloned.1.call-start
scs
__scs_entry_jumppad:
0x0: {  	(pc) =	sbr.rel $0x88, $3  }
0x1: {  	(tag) =	ssettag $0x0;
	lr =	simm.s32 $0x1  }
0x2: {  	[smem:$0x3F9D] =	sst lr;
	_ =	strace $0xD0000000  }
0x3: {  	_ = 	snop  }
0x4: {  	_ = 	snop  }
0x5: {  	_ = 	snop  }
0x6: {  	_ = 	snop  }
0x7: {  	_ = 	snop  }
__scs_overlays_trampoline_lowered:
0x8: {  	[smem:$0x3FAC] =	sst s0  }
0x9: {  	[smem:$0x3FAD] =	sst s1  }
0xa: {  	[smem:$0x3FAE] =	sst s2  }
0xb: {  	[smem:$0x3FAF] =	sst s3  }
0xc: {  	[smem:$0x3FB0] =	sst s4  }
0xd: {  	[smem:$0x3FB1] =	sst s5  }
0xe: {  	[smem:$0x3FB2] =	sst s6  }
0xf: {  	[smem:$0x3FB3] =	sst s7  }
0x10: {  	[smem:$0x3FB4] =	sst s8  }
0x11: {  	[smem:$0x3FB5] =	sst s9;
	s0 =	simm.s32 @!p0 $0x0  }
0x12: {  	s1 =	sld [smem:$0x3F9B];
	s0 =	simm.s32 @p0 $0x1  }
0x13: {  	[smem:$0x3FB6] =	sst s0;
	s0 =	simm.s32 @!p1 $0x0  }
0x14: {  	s2 =	sld [smem:$0x3F9A];
	s0 =	simm.s32 @p1 $0x1  }
0x15: {  	[smem:$0x3FB7] =	sst s0;
	s0 =	simm.s32 @!p2 $0x0  }
0x16: {  	s3 =	sld [smem:$0x3FDB];
	s0 =	simm.s32 @p2 $0x1  }
0x17: {  	s4 =	simm.s32 $0x1BF5;
	[smem:$0x3FB9] =	sst s0  }
0x18: {  	s0 =	sld [smem:$0x3F9C];
	_ =	swait.ge [sflag:s4], $0x0  }
0x19: {  	s7 =	sld [smem:$0x3F9D]  }
0x1a: {  	s8 =	sadd.s32 $0xFFFFE003, lr  }
0x1b: {  	s9 =	sadd.s32 $0xFFFFFEF7, lr;
	s5 =	simm.s32 $0xFFFFFFFF;
	p2 =	slt.u32 s8, $0xFFFFF086  }
0x1c: {  	p1 =	slt.u32 s9, $0xF7A;
	s5 =	simm.s32 @!p2 $0x0  }
0x1d: {  	s5 =	simm.s32 @p1 $0x1;
	p0 =	seq.s32 s7, s2  }
0x1e: {  	s7 =	smul.u32 @!p0 $0xF7A, s2;
	p2 =	seq.s32 @!p0 s5, $0x0  }
0x1f: {  	s9 =	smul.u32 $0xF7A, s1;
	s8 =	simm.s32 @!p0 $0x1BF5;
	p2 =	por !p2, p0  }
0x20: {  	[sflag:s8] =	ssyncset.s32 @!p0 $0xFFFFF086;
	s6 =	sadd.s32 @!p0 s3, s7;
	s7 =	simm.s32 @!p0 $0x108  }
0x21: {  	s3 =	sadd.s32 s3, s9;
	s6 =	sadd.s32 @!p0 $0x88, s6;
	s7 =	simm.s32 @p2 $0x1082  }
0x22: {  	[simem:s7], [sflag:s8] =	dma.local @!p0 [hbm:s6], $0xF7A  }
0x23: {  	s9 =	sor.u32 $0xD0000000, s2;
	s6 =	simm.s32 $0x108;
	_ =	swait.ge @!p0 [sflag:s8], $0x0  }
0x24: {  	s3 =	sadd.s32 $0x88, s3;
	s6 =	simm.s32 @!p1 $0x1082;
	[sflag:s4] =	ssyncset.s32 $0xFFFFF086  }
0x25: {  	[simem:s6], [sflag:s4] =	dma.local [hbm:s3], $0xF7A  }
0x26: {  	[smem:$0x3F9D] =	sst s1;
	(tag) =	ssettag s2;
	_ =	strace s9  }
0x27: {  	s1 =	sld [smem:$0x3FAD]  }
0x28: {  	s2 =	sld [smem:$0x3FAE]  }
0x29: {  	s4 =	sld [smem:$0x3FB0]  }
0x2a: {  	p0 =	seq.s32 s5, $0x0;
	s5 =	sld [smem:$0x3FB1]  }
0x2b: {  	s6 =	sld [smem:$0x3FB2]  }
0x2c: {  	s7 =	sld [smem:$0x3FB3]  }
0x2d: {  	s3 =	simm.s32 $0x108;
	s8 =	sld [smem:$0x3FB4]  }
0x2e: {  	s3 =	simm.s32 @!p0 $0x1082;
	s9 =	sld [smem:$0x3FB5]  }
0x2f: {  	lr =	sadd.s32 s0, s3;
	s0 =	sld [smem:$0x3FAC]  }
0x30: {  	s3 =	sld [smem:$0x3FAF]  }
0x31: {  	[smem:$0x3FB8] =	sst s10  }
0x32: {  	s10 =	sld [smem:$0x3FB6];
	_ =	sdelay $0x3  }
0x33: {  	p0 =	seq.s32 s10, $0x1;
	s10 =	sld [smem:$0x3FB8];
	_ =	sdelay $0x3  }
0x34: {  	[smem:$0x3FB8] =	sst s10  }
0x35: {  	s10 =	sld [smem:$0x3FB7];
	_ =	sdelay $0x3  }
0x36: {  	p1 =	seq.s32 s10, $0x1;
	s10 =	sld [smem:$0x3FB8];
	_ =	sdelay $0x3  }
0x37: {  	[smem:$0x3FB8] =	sst s10  }
0x38: {  	s10 =	sld [smem:$0x3FB9]  }
0x39: {  	_ = 	snop;
	(pc) =	sbr.ind lr, $3  }
0x3a: {  	_ = 	snop  }
0x3b: {  	_ = 	snop  }
0x3c: {  	p2 =	seq.s32 s10, $0x1;
	s10 =	sld [smem:$0x3FB8]  }
0x3d: {  	_ =	shalt  }
0x3e: {  	_ =	shalt  }
0x3f: {  	_ =	shalt  }
0x40: {  	_ =	shalt  }
0x41: {  	_ =	shalt  }
0x42: {  	_ =	shalt  }
0x43: {  	_ =	shalt  }
0x44: {  	_ =	shalt  }
0x45: {  	_ =	shalt  }
0x46: {  	_ =	shalt  }
0x47: {  	_ =	shalt  }
0x48: {  	_ =	shalt  }
0x49: {  	_ =	shalt  }
0x4a: {  	_ =	shalt  }
0x4b: {  	_ =	shalt  }
0x4c: {  	_ =	shalt  }
0x4d: {  	_ =	shalt  }
0x4e: {  	_ =	shalt  }
0x4f: {  	_ =	shalt  }
0x50: {  	_ =	shalt  }
0x51: {  	_ =	shalt  }
0x52: {  	_ =	shalt  }
0x53: {  	_ =	shalt  }
0x54: {  	_ =	shalt  }
0x55: {  	_ =	shalt  }
0x56: {  	_ =	shalt  }
0x57: {  	_ =	shalt  }
0x58: {  	_ =	shalt  }
0x59: {  	_ =	shalt  }
0x5a: {  	_ =	shalt  }
0x5b: {  	_ =	shalt  }
0x5c: {  	_ =	shalt  }
0x5d: {  	_ =	shalt  }
0x5e: {  	_ =	shalt  }
0x5f: {  	_ =	shalt  }
0x60: {  	_ =	shalt  }
0x61: {  	_ =	shalt  }
0x62: {  	_ =	shalt  }
0x63: {  	_ =	shalt  }
0x64: {  	_ =	shalt  }
0x65: {  	_ =	shalt  }
0x66: {  	_ =	shalt  }
0x67: {  	_ =	shalt  }
0x68: {  	_ =	shalt  }
0x69: {  	_ =	shalt  }
0x6a: {  	_ =	shalt  }
0x6b: {  	_ =	shalt  }
0x6c: {  	_ =	shalt  }
0x6d: {  	_ =	shalt  }
0x6e: {  	_ =	shalt  }
0x6f: {  	_ =	shalt  }
0x70: {  	_ =	shalt  }
0x71: {  	_ =	shalt  }
0x72: {  	_ =	shalt  }
0x73: {  	_ =	shalt  }
0x74: {  	_ =	shalt  }
0x75: {  	_ =	shalt  }
0x76: {  	_ =	shalt  }
0x77: {  	_ =	shalt  }
0x78: {  	_ =	shalt  }
0x79: {  	_ =	shalt  }
0x7a: {  	_ =	shalt  }
0x7b: {  	_ =	shalt  }
0x7c: {  	_ =	shalt  }
0x7d: {  	_ =	shalt  }
0x7e: {  	_ =	shalt  }
0x7f: {  	_ =	shalt  }
0x80: {  	_ =	shalt  }
0x81: {  	_ =	shalt  }
0x82: {  	_ =	shalt  }
0x83: {  	_ =	shalt  }
0x84: {  	_ =	shalt  }
0x85: {  	_ =	shalt  }
0x86: {  	_ =	shalt  }
0x87: {  	_ =	shalt  }
.Lfunc_end0:
.L_simem_size_0:
called_computation_lowered:
.L_overlay_start_0:
0x88: {  	s2 =	sld [smem:$0x3FD9]  }
0x89: {  	s3 =	sld [smem:$0x3FFE];
	_ =	sdelay $0x1  }
0x8a: {  	s1 =	srdreg.scid  }
0x8b: {  	s0 =	sand.u32 $0x1, s1  }
0x8c: {  	s17 =	sshll.u32 s0, $0xA;
	s2 =	sadd.s32 s3, s2  }
0x8d: {  	s2 =	sadd.s32 s2, s17  }
0x8e: {  	[smem:$0x3FC4] =	sst s2  }
0x8f: {  	_ = 	snop  }
0x90: {  	s2 =	sld [smem:$0x3FC9];
	(tm) =	ssettm $0x1  }
0x91: {  	s18 =	sld [smem:$0x3FFB];
	_ =	sdelay $0x3  }
0x92: {  	_ =	strace s18  }
0x93: {  	s3 =	sld [smem:$0x3FFC];
	_ =	sdelay $0x3  }
0x94: {  	_ =	strace s3  }
0x95: {  	s3 =	sld [smem:$0x3FFD];
	_ =	sdelay $0x3  }
0x96: {  	_ =	strace s3  }
0x97: {  	_ =	strace $0x8FFFFFFF  }
0x98: {  	s19 =	sld [smem:$0x3FDB];
	_ =	sdelay $0x1  }
0x99: {  	s4 =	simm.s32 $_scs_section_size  }
0x9a: {  	s5 =	simm.s32 $_size__tile_overlayer_lowered;
	s6 =	simm.s32 $_tile_overlayer_lowered  }
0x9b: {  	s22 =	simm.s32 $0x1BFF;
	s21 =	sshll.u32 s6, $0x1;
	s3 =	sadd.s32 s4, s19  }
0x9c: {  	s7 =	simm.s32 $0x0;
	s20 =	sshll.u32 s5, $0x1;
	s5 =	sadd.s32 s21, s3  }
0x9d: {  	[timem:s7], [sflag:s22] =	dma.local [hbm:s5], s20  }
0x9e: {  	_ =	swait.ge [sflag:s22], s20  }
0x9f: {  	s4 =	ssub.s32 $0x0, s20;
	[sflag:s22] =	ssyncset.done $0x0  }
0xa0: {  	[sflag:s22] =	ssyncadd.s32 s4;
	_ =	sdelay $0x1  }
0xa1: {  	s23 =	simm.s32 $0x1B8B  }
0xa2: {  	_ =	swait.ge [sflag:s23], $0x1  }
0xa3: {  	[sflag:s23] =	ssyncset.done $0x0  }
0xa4: {  	s25 =	simm.s32 $0x1B8E;
	s24 =	sld [smem:$0x3FFE];
	[sflag:s23] =	ssyncadd.s32 $0xFFFFFFFF  }
0xa5: {  	s26 =	simm.s32 $execute0_lowered;
	[smem:$0x3FD2] =	sst s25  }
0xa6: {  	s5 =	sshll.u32 s26, $0x1;
	_ =	strace $0x80000046;
	[dreg:$0x1] =	wrdreg $0xFFFFFFFF  }
0xa7: {  	s28 =	simm.s32 $_size_execute0_lowered;
	s3 =	sadd.s32 s3, s5;
	[dreg:$0x0] =	wrdreg $0x0  }
0xa8: {  	s5 =	sshll.u32 s28, $0x1;
	[dreg:$0x2] =	wrdreg s3  }
0xa9: {  	[dreg:$0x3] =	wrdreg s5  }
0xaa: {  	[dreg:$0x4] =	wrdreg $0xC0  }
0xab: {  	_ =	task [dreg:s7], $0x5FFFF  }
0xac: {  	[dreg:$0x1] =	wrdreg $0xFFFFFFFF  }
0xad: {  	[dreg:$0x0] =	wrdreg $0x60  }
0xae: {  	[dreg:$0x2] =	wrdreg s2  }
0xaf: {  	[dreg:$0x3] =	wrdreg s24  }
0xb0: {  	[dreg:$0x4] =	wrdreg $0x9  }
0xb1: {  	_ =	task.clear_ibuf [dreg:s7], $0x5FFFF;
	_ =	strace $0x90000046  }
0xb2: {  	s29 =	simm.s32 $0x9;
	_ =	strace $0x80000048  }
0xb3: {  	_ =	swait.ge [sflag:s29], $0x1  }
0xb4: {  	[sflag:s29] =	ssyncadd.s32 $0xFFFFFFFF  }
0xb5: {  	_ =	strace $0x90000048  }
0xb6: {  	_ =	sfence  }
0xb7: {  	s30 =	sld [smem:$0x0];
	_ =	sdelay $0x2  }
0xb8: {  	s31 =	sshll.u32 s1, $0xD;
	s1 =	sshrl.u32 s1, $0x2  }
0xb9: {  	s3 =	sand.u32 $0x4000, s31;
	s1 =	sadd.s32 s1, s30  }
0xba: {  	s0 =	sor.u32 s3, s0;
	s1 =	sshll.u32 s1, $0x11  }
0xbb: {  	s0 =	sor.u32 s1, s0  }
0xbc: {  	s0 =	sadd.s32 $0x8F2B, s0  }
0xbd: {  	[sflag:s0] =	ssyncadd.remote.s32 $0x1  }
0xbe: {  	_ =	sfence.sel $0xFFFF  }
0xbf: {  	[dreg:$0x0] =	wrdreg $0xFFFFFFFF;
	(pc) =	sbr.abs _section_cstart, $3  }
0xc0: {  	[dreg:$0x1] =	wrdreg $0xFFFFFFFF  }
0xc1: {  	_ =	task.clear_ibuf [dreg:s7], $0x2FFFF;
	_ =	strace $0x9FFFFFFF  }
0xc2: {  	(tm) =	ssettm $0x7FFFFFFF  }
0xc3: {  	_ =	shalt  }
tec
execute0_lowered:
.L_overlay_start_1:
0x0: {  	(tag) =	ssettag $0x1  }
0x1: {  	s1 =	srdreg.scid;
	s2 =	rddreg [dreg:$0x0]  }
0x2: {  	s0 =	stileid.u32;
	s7 =	rddreg [dreg:$0x1]  }
0x3: {  	s3 =	simm.s32 $0x0;
	s10 =	simm.s32 $0x8000;
	s11 =	simm.s32 $0x1  }
0x4: {  	s12 =	simm.s32 $0x2;
	s13 =	simm.s32 $0x80;
	s14 =	simm.s32 $0x400  }
0x5: {  	s15 =	simm.s32 $0x10000;
	s16 =	simm.s32 $0x3;
	s17 =	simm.s32 $0x0  }
0x6: {  	s4 =	sand.u32 $0x1, s1;
	s26 =	sshll.u32 s0, $0x1;
	s1 =	rddreg [dreg:$0x2]  }
0x7: {  	s28 =	sshll.u32 s0, $0xD;
	[smem:$0x7FF] =	sst s3;
	s5 =	sor.u32 s4, s26  }
0x8: {  	_ =	strace $0x80000047;
	s4 =	ssub.s32 $0x2, s4;
	s6 =	sshll.u32 s5, $0x7  }
0x9: {  	s29 =	sshrl.u32 s4, $0x1;
	s5 =	sshll.u32 s5, $0x10;
	s8 =	sor.u32 s28, s6  }
.Ltmp0:
0xa: {  	s6 =	sor.u32 $0x3000, s6;
	s9 =	ssub.s32 s4, s29;
	(pc) =	sbr.rel .LBB2_1-.Ltmp0, $4  }
0xb: {  	s5 =	sadd.s32 s5, s2;
	s8 =	sand.u32 $0x18380, s8;
	s30 =	sshll.u32 s6, $0x9  }
0xc: {  	s5 =	sadd.s32 $0x601000, s5;
	s31 =	sshrl.u32 s6, $0x3;
	s8 =	sshrl.u32 s8, $0x3  }
0xd: {  	s9 =	smax.u32 s9, $0x1;
	s4 =	sadd.s32 s2, s30;
	s8 =	sadd.s32 s8, s7  }
0xe: {  	v0 =	vimm.f32 $0.0e+00;
	s6 =	sor.u32 $0x2, s31;
	s7 =	sor.u32 $0x3, s31;
	s8 =	sadd.s32 $0xC00, s8  }
.LBB2_10:
0xf: {  	s17 =	sadd.s32 $0x1, s17  }
0x10: {  	p0 =	sne.s32 s17, s9  }
.Ltmp1:
0x11: {  	_ = 	snop;
	(pc) =	sbr.rel @!p0 .LBB2_11-.Ltmp1, $4  }
0x12: {  	[hbm4b:s8+s13] =	stream.strided.scatter [tilespmem:s15], [sflag:$0x3], $0x1000, s14, s13, $0x38;
	[tilespmem:$0x11000] =	vst v63  }
0x13: {  	_ =	swait.ge [sflag:s16], $0x1000  }
0x14: {  	[sflag:s16] =	ssyncset.done $0x0  }
0x15: {  	[sflag:s16] =	ssyncadd.s32 $0xFFFFF000  }
.LBB2_1:
0x16: {  	s18 =	simm.s32 $0x40;
	s19 =	simm.s32 $0x0  }
.LBB2_2:
0x17: {  	p0 =	sne.s32 s18, $0x3FC0;
	[tilespmem:s19+$0x10000] =	vst v0;
	s19 =	smov.u32 s18;
	s18 =	sadd.s32 $0x40, s18  }
.Ltmp2:
0x18: {  	(pc) =	sbr.rel @p0 .LBB2_2-.Ltmp2, $2  }
0x19: {  	_ =	sdelay $0x2  }
0x1a: {  	s19 =	sshra.s32 s19, $0x2  }
0x1b: {  	[tilespmem:s19+$0x10000] =	vst v0;
	s18 =	simm.s32 $0x0  }
0x1c: {  	[tilespmem:s18], [sflag:$0x1] =	stream.linear.gather [hbm4b:s4+s18], $0x8000, $0x38;
	[tilespmem:$0x11000] =	vst v63  }
0x1d: {  	s19 =	simm.s32 $0x0  }
0x1e: {  	[tilespmem:s10], [sflag:$0x2] =	stream.linear.gather [hbm4b:s5+s18], $0x8000, $0x38;
	[tilespmem:$0x11000] =	vst v63  }
.LBB2_4:
0x1f: {  	_ =	swait.ge [sflag:s11], $0x8000  }
0x20: {  	s20 =	sand.u32 $0x70, s18;
	s21 =	sand.u32 $0x7C00, s18;
	[sflag:s11] =	ssyncset.done $0x0  }
0x21: {  	s21 =	sor.u32 s20, s21;
	[sflag:s11] =	ssyncadd.s32 $0xFFFF8000  }
0x22: {  	s20 =	simm.s32 $0x10000;
	v1 =	vld [tilespmem:s21+$0x0]  }
0x23: {  	v2 =	vld [tilespmem:s20+$0x0];
	_ =	sdelay $0x1  }
0x24: {  	v3 =	vld [tilespmem:s21+$0x80];
	_ =	sdelay $0x1  }
0x25: {  	v4 =	vld [tilespmem:s21+$0x100]  }
0x26: {  	v1 =	vadd.f32 v1, v2  }
0x27: {  	v2 =	vld [tilespmem:s21+$0x180]  }
0x28: {  	v1 =	vadd.f32 v3, v1  }
0x29: {  	v3 =	vld [tilespmem:s21+$0x200]  }
0x2a: {  	v1 =	vadd.f32 v4, v1  }
0x2b: {  	s22 =	sand.u32 $0x7, s18;
	v63 =	vld [tilespmem:s21+$0x280]  }
0x2c: {  	s22 =	sshll.u32 s22, $0x4;
	v1 =	vadd.f32 v2, v1  }
0x2d: {  	s22 =	sadd.s32 $0x0, s22;
	v2 =	vld [tilespmem:s21+$0x300]  }
0x2e: {  	s30 =	sor.u32 $0x380, s22;
	v1 =	vadd.f32 v3, v1  }
0x2f: {  	v3 =	vld [tilespmem:s30+$0x0]  }
0x30: {  	v1 =	vadd.f32 v63, v1;
	_ =	sdelay $0x1  }
0x31: {  	v1 =	vadd.f32 v2, v1;
	_ =	sdelay $0x1  }
0x32: {  	s31 =	simm.s32 $0x10;
	s21 =	simm.s32 $0x80;
	v1 =	vadd.f32 v3, v1  }
0x33: {  	s22 =	sand.u32 $0x70, s31;
	s23 =	sand.u32 $0x7C00, s21  }
0x34: {  	s24 =	sor.u32 s22, s23;
	s23 =	simm.s32 $0x20;
	s22 =	simm.s32 $0x0;
	[tilespmem:s20+$0x0] =	vst v1  }
.LBB2_5:
0x35: {  	p0 =	sne.s32 s23, $0xFF0;
	v1 =	vld [tilespmem:s24+$0x0];
	s20 =	sadd.s32 $0x10, s20  }
0x36: {  	v2 =	vld [tilespmem:s20+$0x0];
	_ =	sdelay $0x1  }
0x37: {  	v3 =	vld [tilespmem:s24+$0x80];
	_ =	sdelay $0x1  }
0x38: {  	v4 =	vld [tilespmem:s24+$0x100]  }
0x39: {  	v1 =	vadd.f32 v1, v2  }
0x3a: {  	v2 =	vld [tilespmem:s24+$0x180]  }
0x3b: {  	v1 =	vadd.f32 v3, v1  }
0x3c: {  	v3 =	vld [tilespmem:s24+$0x200]  }
0x3d: {  	s22 =	sadd.s32 $0x1, s22;
	v1 =	vadd.f32 v4, v1  }
0x3e: {  	s25 =	sand.u32 $0x7, s22;
	v4 =	vld [tilespmem:s24+$0x280]  }
0x3f: {  	s25 =	sshll.u32 s25, $0x4;
	v1 =	vadd.f32 v2, v1  }
0x40: {  	s25 =	sadd.s32 s25, s21;
	v2 =	vld [tilespmem:s24+$0x300]  }
0x41: {  	s24 =	sor.u32 $0x380, s25;
	v1 =	vadd.f32 v3, v1  }
0x42: {  	v3 =	vld [tilespmem:s24+$0x0]  }
0x43: {  	v1 =	vadd.f32 v4, v1;
	_ =	sdelay $0x1  }
.Ltmp3:
0x44: {  	v1 =	vadd.f32 v2, v1;
	(pc) =	sbr.rel @p0 .LBB2_5-.Ltmp3, $4  }
0x45: {  	_ = 	snop  }
0x46: {  	s21 =	sadd.s32 $0x80, s21;
	v1 =	vadd.f32 v3, v1  }
0x47: {  	s25 =	sand.u32 $0x7C00, s21;
	s24 =	sand.u32 $0x70, s23  }
0x48: {  	s23 =	sadd.s32 $0x10, s23;
	s24 =	sor.u32 s24, s25;
	[tilespmem:s20+$0x0] =	vst v1  }
0x49: {  	v1 =	vld [tilespmem:s24+$0x0];
	s23 =	sadd.s32 $0x10, s20  }
0x4a: {  	v2 =	vld [tilespmem:s23+$0x0];
	_ =	sdelay $0x1  }
0x4b: {  	v3 =	vld [tilespmem:s24+$0x80];
	_ =	sdelay $0x1  }
0x4c: {  	v4 =	vld [tilespmem:s24+$0x100]  }
0x4d: {  	v1 =	vadd.f32 v1, v2  }
0x4e: {  	v2 =	vld [tilespmem:s24+$0x180]  }
0x4f: {  	v1 =	vadd.f32 v3, v1  }
0x50: {  	v3 =	vld [tilespmem:s24+$0x200]  }
0x51: {  	s25 =	sadd.s32 $0x1, s22;
	v1 =	vadd.f32 v4, v1  }
0x52: {  	v61 =	vld [tilespmem:s24+$0x280];
	s20 =	sand.u32 $0x7, s25  }
0x53: {  	s20 =	sshll.u32 s20, $0x4;
	v1 =	vadd.f32 v2, v1  }
0x54: {  	s20 =	sadd.s32 s20, s21;
	v2 =	vld [tilespmem:s24+$0x300]  }
0x55: {  	s20 =	sor.u32 $0x380, s20;
	v1 =	vadd.f32 v3, v1  }
0x56: {  	v3 =	vld [tilespmem:s20+$0x0]  }
0x57: {  	v1 =	vadd.f32 v61, v1;
	_ =	sdelay $0x1  }
0x58: {  	p0 =	seq.s32 s19, $0x7;
	s20 =	sshll.u32 s19, $0x1;
	v1 =	vadd.f32 v2, v1  }
0x59: {  	s21 =	sadd.s32 @!p0 s20, s6  }
0x5a: {  	s21 =	sshll.u32 @!p0 s21, $0xC;
	v1 =	vadd.f32 v3, v1  }
0x5b: {  	s21 =	sand.u32 @!p0 $0x1FFFE000, s21  }
0x5c: {  	s22 =	simm.s32 @!p0 $0x0;
	s21 =	sadd.s32 @!p0 s2, s21;
	[tilespmem:s23+$0x0] =	vst v1  }
0x5d: {  	[tilespmem:s22], [sflag:$0x1] =	stream.linear.gather @!p0 [hbm4b:s21+s22], $0x8000, $0x38;
	[tilespmem:$0x11000] =	vst v63  }
0x5e: {  	s21 =	simm.s32 $0x0;
	_ =	swait.ge [sflag:s12], $0x8000  }
0x5f: {  	s26 =	sand.u32 $0x70, s21;
	s28 =	sand.u32 $0x7C00, s21;
	[sflag:s12] =	ssyncset.done $0x0  }
0x60: {  	s23 =	sor.u32 s26, s28;
	[sflag:s12] =	ssyncadd.s32 $0xFFFF8000  }
0x61: {  	s22 =	simm.s32 $0x10000;
	v1 =	vld [tilespmem:s23+$0x8000]  }
0x62: {  	v2 =	vld [tilespmem:s22+$0x0];
	_ =	sdelay $0x1  }
0x63: {  	v3 =	vld [tilespmem:s23+$0x8080];
	_ =	sdelay $0x1  }
0x64: {  	v62 =	vld [tilespmem:s23+$0x8100]  }
0x65: {  	v1 =	vadd.f32 v1, v2  }
0x66: {  	v2 =	vld [tilespmem:s23+$0x8180]  }
0x67: {  	v1 =	vadd.f32 v3, v1  }
0x68: {  	v3 =	vld [tilespmem:s23+$0x8200]  }
0x69: {  	v1 =	vadd.f32 v62, v1  }
0x6a: {  	s29 =	sand.u32 $0x7, s21;
	v63 =	vld [tilespmem:s23+$0x8280]  }
0x6b: {  	s24 =	sshll.u32 s29, $0x4;
	v1 =	vadd.f32 v2, v1  }
0x6c: {  	s24 =	sadd.s32 $0x0, s24;
	v2 =	vld [tilespmem:s23+$0x8300]  }
0x6d: {  	s30 =	sor.u32 $0x380, s24;
	v1 =	vadd.f32 v3, v1  }
0x6e: {  	v3 =	vld [tilespmem:s30+$0x8000]  }
0x6f: {  	v1 =	vadd.f32 v63, v1;
	_ =	sdelay $0x1  }
0x70: {  	v1 =	vadd.f32 v2, v1;
	_ =	sdelay $0x1  }
0x71: {  	s31 =	simm.s32 $0x10;
	s23 =	simm.s32 $0x80;
	v1 =	vadd.f32 v3, v1  }
0x72: {  	s24 =	sand.u32 $0x70, s31;
	s25 =	sand.u32 $0x7C00, s23  }
0x73: {  	s25 =	sor.u32 s24, s25;
	s24 =	simm.s32 $0x20;
	[tilespmem:s22+$0x0] =	vst v1  }
.LBB2_7:
0x74: {  	p1 =	sne.s32 s24, $0xFF0;
	v1 =	vld [tilespmem:s25+$0x8000];
	s22 =	sadd.s32 $0x10, s22  }
0x75: {  	v2 =	vld [tilespmem:s22+$0x0];
	_ =	sdelay $0x1  }
0x76: {  	v3 =	vld [tilespmem:s25+$0x8080];
	_ =	sdelay $0x1  }
0x77: {  	v4 =	vld [tilespmem:s25+$0x8100]  }
0x78: {  	v1 =	vadd.f32 v1, v2  }
0x79: {  	v2 =	vld [tilespmem:s25+$0x8180]  }
0x7a: {  	v1 =	vadd.f32 v3, v1  }
0x7b: {  	v3 =	vld [tilespmem:s25+$0x8200]  }
0x7c: {  	s21 =	sadd.s32 $0x1, s21;
	v1 =	vadd.f32 v4, v1  }
0x7d: {  	s26 =	sand.u32 $0x7, s21;
	v4 =	vld [tilespmem:s25+$0x8280]  }
0x7e: {  	s26 =	sshll.u32 s26, $0x4;
	v1 =	vadd.f32 v2, v1  }
0x7f: {  	s26 =	sadd.s32 s26, s23;
	v2 =	vld [tilespmem:s25+$0x8300]  }
0x80: {  	s25 =	sor.u32 $0x380, s26;
	v1 =	vadd.f32 v3, v1  }
0x81: {  	v3 =	vld [tilespmem:s25+$0x8000]  }
0x82: {  	v1 =	vadd.f32 v4, v1;
	_ =	sdelay $0x1  }
.Ltmp4:
0x83: {  	v1 =	vadd.f32 v2, v1;
	(pc) =	sbr.rel @p1 .LBB2_7-.Ltmp4, $4  }
0x84: {  	_ = 	snop  }
0x85: {  	s23 =	sadd.s32 $0x80, s23;
	v1 =	vadd.f32 v3, v1  }
0x86: {  	s26 =	sand.u32 $0x7C00, s23;
	s25 =	sand.u32 $0x70, s24  }
0x87: {  	s24 =	sadd.s32 $0x10, s24;
	s25 =	sor.u32 s25, s26;
	[tilespmem:s22+$0x0] =	vst v1  }
0x88: {  	v1 =	vld [tilespmem:s25+$0x8000];
	s22 =	sadd.s32 $0x10, s22  }
0x89: {  	v2 =	vld [tilespmem:s22+$0x0];
	_ =	sdelay $0x1  }
0x8a: {  	v3 =	vld [tilespmem:s25+$0x8080];
	_ =	sdelay $0x1  }
0x8b: {  	v4 =	vld [tilespmem:s25+$0x8100]  }
0x8c: {  	v1 =	vadd.f32 v1, v2  }
0x8d: {  	v2 =	vld [tilespmem:s25+$0x8180]  }
0x8e: {  	v1 =	vadd.f32 v3, v1  }
0x8f: {  	v3 =	vld [tilespmem:s25+$0x8200]  }
0x90: {  	s21 =	sadd.s32 $0x1, s21;
	v1 =	vadd.f32 v4, v1  }
0x91: {  	v63 =	vld [tilespmem:s25+$0x8280];
	s21 =	sand.u32 $0x7, s21  }
0x92: {  	s21 =	sshll.u32 s21, $0x4;
	v1 =	vadd.f32 v2, v1  }
0x93: {  	s21 =	sadd.s32 s21, s23;
	v2 =	vld [tilespmem:s25+$0x8300]  }
0x94: {  	s21 =	sor.u32 $0x380, s21;
	v1 =	vadd.f32 v3, v1  }
0x95: {  	v3 =	vld [tilespmem:s21+$0x8000]  }
0x96: {  	v1 =	vadd.f32 v63, v1;
	_ =	sdelay $0x1  }
.Ltmp5:
0x97: {  	v1 =	vadd.f32 v2, v1;
	(pc) =	sbr.rel @p0 .LBB2_10-.Ltmp5, $3  }
0x98: {  	_ = 	snop  }
0x99: {  	v1 =	vadd.f32 v3, v1;
	_ =	sdelay $0x1  }
0x9a: {  	[tilespmem:s22+$0x0] =	vst v1  }
.Ltmp6:
0x9b: {  	(pc) =	sbr.rel .LBB2_4-.Ltmp6, $4  }
0x9c: {  	s20 =	sadd.s32 s20, s7  }
0x9d: {  	s20 =	sshll.u32 s20, $0xC  }
0x9e: {  	s19 =	sadd.s32 $0x1, s19;
	s20 =	sadd.s32 s2, s20  }
0x9f: {  	[tilespmem:s10], [sflag:$0x2] =	stream.linear.gather [hbm4b:s20+s3], $0x8000, $0x38;
	[tilespmem:$0x11000] =	vst v63  }
.LBB2_11:
0xa0: {  	_ =	sfence.sel $0x180000  }
0xa1: {  	[bflag:$0x0] =	sbarrier.arrive $0xFFFF  }
0xa2: {  	p0 =	sne.s32 s0, $0x0;
	_ =	strace $0x90000047  }
0xa3: {  	s0 =	sadd.s32 @!p0 $0x100000, s1;
	[bflag:$0x2] =	sbarrier.arrive $0xFFFF  }
0xa4: {  	[sflag:s0] =	ssyncadd.tile.s32 @!p0 $0x1;
	_ =	shalt  }
.Lfunc_end2:
_tile_overlayer_lowered:
.L_overlay_start_2:
0xa5: {  	(tag) =	ssettag $0x2  }
0xa6: {  	s0 =	rddreg [dreg:$0x0];
	s2 =	stileid.u32  }
0xa7: {  	s1 =	rddreg [dreg:$0x1];
	p0 =	sne.s32 s2, $0x0  }
0xa8: {  	s3 =	rddreg [dreg:$0x2];
	[bflag:$0x3] =	sbarrier.arrive $0xFFFF;
	s2 =	simm.s32 @!p0 $0x1C03  }
0xa9: {  	[timem:s3], [sflag:s2] =	dma.local @!p0 [hbm:s0], s1  }
0xaa: {  	s0 =	simm.s32 @!p0 $0x3  }
0xab: {  	_ =	swait.ge @!p0 [sflag:s0], s1  }
0xac: {  	s1 =	ssub.s32 @!p0 $0x0, s1;
	[sflag:s0] =	ssyncset.done @!p0 $0x0  }
0xad: {  	[sflag:s0] =	ssyncadd.s32 @!p0 s1  }
0xae: {  	[bflag:$0x3] =	sbarrier.arrive $0xFFFF  }
0xaf: {  	_ =	shalt  }

</sc_bundles>
